<compile_context>
chip_gen: v7x
topology: tpu7x:2x2x1
jax: 0.10.2.dev20260603
libtpu: 0.0.44.dev20260713+nightly
codegen_flags: <defaults>
</compile_context>

<pallas_src>
import functools

import jax
import jax.numpy as jnp
from jax import lax
from jax.experimental import pallas as pl
from jax.experimental.pallas import tpu as pltpu

KC = 8192
DC = 256

_WINDOWS = ((0, 4096), (4096, 8192))
_SUB = 1024


def _make_argmin_body(assoc):
    def _argmin_body(z_ref, zsum_ref, whi_ref, wlo_ref, wsum_ref, idx_ref):
        z2 = z_ref[0]
        tm = z2.shape[1]
        zsum = zsum_ref[0]
        dn = (((1,), (0,)), ((), ()))
        acc_v = acc_i = None
        for t, (lo, hi) in enumerate(_WINDOWS):
            wmin = wargs = None
            for s in range(lo, hi, _SUB):
                n = min(_SUB, hi - s)
                wsum = wsum_ref[s:s + n, :]
                h = lax.dot_general(whi_ref[s:s + n, :], z2, dn,
                                    preferred_element_type=jnp.float32)
                l = lax.dot_general(wlo_ref[s:s + n, :], z2, dn,
                                    preferred_element_type=jnp.float32)
                if assoc == 0:
                    d = (zsum + wsum) - (h + l)
                else:
                    d = ((zsum + wsum) - h) - l
                smin = jnp.min(d, axis=0, keepdims=True)
                iota = lax.broadcasted_iota(jnp.int32, (n, tm), 0) + s
                sarg = jnp.min(jnp.where(d == smin, iota, KC), axis=0,
                               keepdims=True)
                if s == lo:
                    wmin, wargs = smin, sarg
                else:
                    better = smin < wmin
                    wargs = jnp.where(better, sarg, wargs)
                    wmin = jnp.where(better, smin, wmin)
            if t == 0:
                acc_v = wmin.astype(jnp.bfloat16).astype(jnp.float32)
                acc_i = wargs
            else:
                take = wmin < acc_v
                acc_i = jnp.where(take, wargs, acc_i)
        idx_ref[0] = acc_i
    return _argmin_body


def _encode_indices(z2b, zsum, w_hi, w_lo, wsum, assoc=0):
    b, _, p = z2b.shape
    return pl.pallas_call(
        _make_argmin_body(assoc),
        grid=(b,),
        in_specs=[
            pl.BlockSpec((1, DC, p), lambda i: (i, 0, 0)),
            pl.BlockSpec((1, 1, p), lambda i: (i, 0, 0)),
            pl.BlockSpec((KC, DC), lambda i: (0, 0)),
            pl.BlockSpec((KC, DC), lambda i: (0, 0)),
            pl.BlockSpec((KC, 1), lambda i: (0, 0)),
        ],
        out_specs=pl.BlockSpec((1, 1, p), lambda i: (i, 0, 0)),
        out_shape=jax.ShapeDtypeStruct((b, 1, p), jnp.int32),
    )(z2b, zsum, w_hi, w_lo, wsum)


def _prep(z_e, W):
    B, Dd, H, Wd = z_e.shape
    P = H * Wd
    z2b = (2.0 * z_e).astype(jnp.bfloat16).reshape(B, Dd, P)
    zsum = jnp.sum(z_e * z_e, axis=1).reshape(B, 1, P)
    w_hi = W.astype(jnp.bfloat16)
    w_lo = (W - w_hi.astype(jnp.float32)).astype(jnp.bfloat16)
    wsum = jnp.sum(W * W, axis=1).reshape(KC, 1)
    return z2b, zsum, w_hi, w_lo, wsum


def kernel(z_e, W):
    z_e = z_e.astype(jnp.float32)
    B, Dd, H, Wd = z_e.shape
    P = H * Wd
    z2b, zsum, w_hi, w_lo, wsum = _prep(z_e, W)
    idx3 = _encode_indices(z2b, zsum, w_hi, w_lo, wsum)
    encoding_indices = idx3.reshape(B, H, Wd)
    flat_idx = idx3.reshape(-1)

    z_q_flat = jnp.take(W, flat_idx, axis=0)
    z_q = jnp.transpose(z_q_flat.reshape(B, H, Wd, Dd), (0, 3, 1, 2))
    vq_loss = jnp.mean((z_q - z_e) ** 2)
    commitment_loss = 0.25 * vq_loss
    z_q_st = z_e + (z_q - z_e)
    counts = jnp.bincount(flat_idx, length=KC)
    unique_codes = jnp.sum(counts > 0)
    codebook_usage = unique_codes.astype(jnp.float32) / KC
    avg_probs = counts.astype(jnp.float32) / flat_idx.shape[0]
    perplexity = jnp.exp(-jnp.sum(avg_probs * jnp.log(avg_probs + 1e-10)))
    return (z_q_st, vq_loss, commitment_loss,
            encoding_indices, codebook_usage, perplexity)

# --- scband reference (transcript-rebuilt; emitter-appended) ---
"""Pipeline reference for scband-vector-quantizer-30081950941234 (READ-ONLY COPY).

The authoritative reference and input builder live on the scoring server;
editing this copy changes nothing except your own understanding.
"""

import jax, jax.numpy as jnp
import numpy as np

K = 8192
D = 256

def setup_inputs(seed: int = 0) -> dict:
    key = jax.random.key(seed)
    k1, k2 = jax.random.split(key)
    z_e = jax.random.normal(k1, (16, D, 32, 32), dtype=jnp.float32)
    W = jax.random.uniform(k2, (K, D), dtype=jnp.float32, minval=-1.0 / K, maxval=1.0 / K)
    return {"z_e": z_e, "W": W}

def reference(z_e, W):
    z_e = z_e.astype(jnp.float32)
    B, Dd, H, Wd = z_e.shape
    z_flat = jnp.transpose(z_e, (0, 2, 3, 1)).reshape(-1, Dd)
    distances = (jnp.sum(z_flat ** 2, axis=1, keepdims=True)
                 + jnp.sum(W ** 2, axis=1)
                 - 2.0 * z_flat @ W.T)
    encoding_indices = jnp.argmin(distances, axis=1)
    z_q_flat = jnp.take(W, encoding_indices, axis=0)
    z_q = jnp.transpose(z_q_flat.reshape(B, H, Wd, Dd), (0, 3, 1, 2))
    vq_loss = jnp.mean((z_q - jax.lax.stop_gradient(z_e)) ** 2)
    commitment_loss = 0.25 * jnp.mean((z_e - jax.lax.stop_gradient(z_q)) ** 2)
    z_q_st = z_e + jax.lax.stop_gradient(z_q - z_e)
    counts = jnp.bincount(encoding_indices, length=K)
    unique_codes = jnp.sum(counts > 0)
    codebook_usage = unique_codes.astype(jnp.float32) / K
    avg_probs = counts.astype(jnp.float32) / encoding_indices.shape[0]
    perplexity = jnp.exp(-jnp.sum(avg_probs * jnp.log(avg_probs + 1e-10)))
    return (z_q_st, vq_loss, commitment_loss,
            encoding_indices.reshape(B, H, Wd), codebook_usage, perplexity)

if __name__ == "__main__":
    import jax
    _d = setup_inputs()
    print(jax.jit(kernel)(*tuple(_d.values())))

</pallas_src>

<mosaic_0001>
module attributes {stable_mosaic.version = 14 : i64} {
  func.func @_argmin_body(%arg0: i32, %arg1: memref<1x256x1024xbf16, #tpu.memory_space<vmem>>, %arg2: memref<1x1x1024xf32, #tpu.memory_space<vmem>>, %arg3: memref<8192x256xbf16, #tpu.memory_space<vmem>>, %arg4: memref<8192x256xbf16, #tpu.memory_space<vmem>>, %arg5: memref<8192x1xf32, #tpu.memory_space<vmem>>, %arg6: memref<1x1x1024xi32, #tpu.memory_space<vmem>>) attributes {dimension_semantics = [#tpu.dimension_semantics<arbitrary>], iteration_bounds = array<i64: 16>, scalar_prefetch = 0 : i64, scratch_operands = 0 : i64, tpu.core_type = #tpu.core_type<tc>, window_params = [{transform_indices = @transform_0, window_bounds = array<i64: 1, 256, 1024>}, {transform_indices = @transform_1, window_bounds = array<i64: 1, 1, 1024>}, {pipeline_mode = #tpu.pipeline_mode<synchronous>, transform_indices = @transform_2, window_bounds = array<i64: 8192, 256>}, {pipeline_mode = #tpu.pipeline_mode<synchronous>, transform_indices = @transform_3, window_bounds = array<i64: 8192, 256>}, {pipeline_mode = #tpu.pipeline_mode<synchronous>, transform_indices = @transform_4, window_bounds = array<i64: 8192, 1>}, {transform_indices = @transform_5, window_bounds = array<i64: 1, 1, 1024>}]} {
    %get3A = arith.constant 0 : index
    %get3A_0 = arith.constant 0 : index
    %get3A_1 = arith.constant 0 : index
    %get3A_2 = vector.load %arg1[%get3A, %get3A_0, %get3A_1] : memref<1x256x1024xbf16, #tpu.memory_space<vmem>>, vector<1x256x1024xbf16>
    %get3A_3 = vector.shape_cast %get3A_2 : vector<1x256x1024xbf16> to vector<256x1024xbf16>
    %get3A_4 = arith.constant 0 : index
    %get3A_5 = arith.constant 0 : index
    %get3A_6 = arith.constant 0 : index
    %get3A_7 = vector.load %arg2[%get3A_4, %get3A_5, %get3A_6] : memref<1x1x1024xf32, #tpu.memory_space<vmem>>, vector<1x1x1024xf32>
    %get3A_8 = vector.shape_cast %get3A_7 : vector<1x1x1024xf32> to vector<1x1024xf32>
    %get3A_9 = arith.constant 0 : index
    %get3A_10 = arith.constant 0 : index
    %get3A_11 = vector.load %arg5[%get3A_9, %get3A_10] : memref<8192x1xf32, #tpu.memory_space<vmem>>, vector<1024x1xf32>
    %get3A_12 = arith.constant 0 : index
    %get3A_13 = arith.constant 0 : index
    %get3A_14 = vector.load %arg3[%get3A_12, %get3A_13] : memref<8192x256xbf16, #tpu.memory_space<vmem>>, vector<1024x256xbf16>
    %dot_general3A = arith.constant dense<0.000000e+00> : vector<1024x1024xf32>
    %dot_general3A_15 = tpu.matmul %get3A_14, %get3A_3, %dot_general3A {dimension_numbers = #tpu.dot_dimension_numbers<[1], [0], [0], [1], [0, 0, 1, 1], [], []>, transpose_lhs_hint = false} : vector<1024x256xbf16>, vector<256x1024xbf16>, vector<1024x1024xf32> -> vector<1024x1024xf32>
    %get3A_16 = arith.constant 0 : index
    %get3A_17 = arith.constant 0 : index
    %get3A_18 = vector.load %arg4[%get3A_16, %get3A_17] : memref<8192x256xbf16, #tpu.memory_space<vmem>>, vector<1024x256xbf16>
    %dot_general3A_19 = arith.constant dense<0.000000e+00> : vector<1024x1024xf32>
    %dot_general3A_20 = tpu.matmul %get3A_18, %get3A_3, %dot_general3A_19 {dimension_numbers = #tpu.dot_dimension_numbers<[1], [0], [0], [1], [0, 0, 1, 1], [], []>, transpose_lhs_hint = false} : vector<1024x256xbf16>, vector<256x1024xbf16>, vector<1024x1024xf32> -> vector<1024x1024xf32>
    %add3A = vector.broadcast %get3A_8 : vector<1x1024xf32> to vector<1024x1024xf32>
    %add3A_21 = vector.broadcast %get3A_11 : vector<1024x1xf32> to vector<1024x1024xf32>
    %add3A_22 = arith.addf %add3A, %add3A_21 : vector<1024x1024xf32>
    %add3A_23 = arith.addf %dot_general3A_15, %dot_general3A_20 : vector<1024x1024xf32>
    %sub3A = arith.subf %add3A_22, %add3A_23 : vector<1024x1024xf32>
    %reduce_min3A = arith.constant dense<0x7F800000> : vector<1024xf32>
    %reduce_min3A_24 = vector.multi_reduction <minimumf>, %sub3A, %reduce_min3A [0] : vector<1024x1024xf32> to vector<1024xf32>
    %broadcast_in_dim3A = vector.shape_cast %reduce_min3A_24 : vector<1024xf32> to vector<1x1024xf32>
    %iota3A = tpu.iota {dimensions = array<i32: 0>} : vector<1024x1024xi32>
    %add3A_25 = arith.constant 0 : i32
    %add3A_26 = vector.broadcast %add3A_25 : i32 to vector<1024x1024xi32>
    %add3A_27 = arith.addi %iota3A, %add3A_26 : vector<1024x1024xi32>
    %eq3A = vector.broadcast %broadcast_in_dim3A : vector<1x1024xf32> to vector<1024x1024xf32>
    %eq3A_28 = arith.cmpf oeq, %sub3A, %eq3A : vector<1024x1024xf32>
    %jit3A = arith.constant 8192 : i32
    %broadcast_in_dim3A_29 = vector.broadcast %jit3A : i32 to vector<1024x1024xi32>
    %select_n3A = arith.select %eq3A_28, %add3A_27, %broadcast_in_dim3A_29 : vector<1024x1024xi1>, vector<1024x1024xi32>
    %reduce_min3A_30 = arith.constant dense<2147483647> : vector<1024xi32>
    %reduce_min3A_31 = vector.multi_reduction <minsi>, %select_n3A, %reduce_min3A_30 [0] : vector<1024x1024xi32> to vector<1024xi32>
    %broadcast_in_dim3A_32 = vector.shape_cast %reduce_min3A_31 : vector<1024xi32> to vector<1x1024xi32>
    %get3A_33 = arith.constant 1024 : index
    %get3A_34 = arith.constant 0 : index
    %get3A_35 = vector.load %arg5[%get3A_33, %get3A_34] : memref<8192x1xf32, #tpu.memory_space<vmem>>, vector<1024x1xf32>
    %get3A_36 = arith.constant 1024 : index
    %get3A_37 = arith.constant 0 : index
    %get3A_38 = vector.load %arg3[%get3A_36, %get3A_37] : memref<8192x256xbf16, #tpu.memory_space<vmem>>, vector<1024x256xbf16>
    %dot_general3A_39 = arith.constant dense<0.000000e+00> : vector<1024x1024xf32>
    %dot_general3A_40 = tpu.matmul %get3A_38, %get3A_3, %dot_general3A_39 {dimension_numbers = #tpu.dot_dimension_numbers<[1], [0], [0], [1], [0, 0, 1, 1], [], []>, transpose_lhs_hint = false} : vector<1024x256xbf16>, vector<256x1024xbf16>, vector<1024x1024xf32> -> vector<1024x1024xf32>
    %get3A_41 = arith.constant 1024 : index
    %get3A_42 = arith.constant 0 : index
    %get3A_43 = vector.load %arg4[%get3A_41, %get3A_42] : memref<8192x256xbf16, #tpu.memory_space<vmem>>, vector<1024x256xbf16>
    %dot_general3A_44 = arith.constant dense<0.000000e+00> : vector<1024x1024xf32>
    %dot_general3A_45 = tpu.matmul %get3A_43, %get3A_3, %dot_general3A_44 {dimension_numbers = #tpu.dot_dimension_numbers<[1], [0], [0], [1], [0, 0, 1, 1], [], []>, transpose_lhs_hint = false} : vector<1024x256xbf16>, vector<256x1024xbf16>, vector<1024x1024xf32> -> vector<1024x1024xf32>
    %add3A_46 = vector.broadcast %get3A_8 : vector<1x1024xf32> to vector<1024x1024xf32>
    %add3A_47 = vector.broadcast %get3A_35 : vector<1024x1xf32> to vector<1024x1024xf32>
    %add3A_48 = arith.addf %add3A_46, %add3A_47 : vector<1024x1024xf32>
    %add3A_49 = arith.addf %dot_general3A_40, %dot_general3A_45 : vector<1024x1024xf32>
    %sub3A_50 = arith.subf %add3A_48, %add3A_49 : vector<1024x1024xf32>
    %reduce_min3A_51 = arith.constant dense<0x7F800000> : vector<1024xf32>
    %reduce_min3A_52 = vector.multi_reduction <minimumf>, %sub3A_50, %reduce_min3A_51 [0] : vector<1024x1024xf32> to vector<1024xf32>
    %broadcast_in_dim3A_53 = vector.shape_cast %reduce_min3A_52 : vector<1024xf32> to vector<1x1024xf32>
    %iota3A_54 = tpu.iota {dimensions = array<i32: 0>} : vector<1024x1024xi32>
    %add3A_55 = arith.constant 1024 : i32
    %add3A_56 = vector.broadcast %add3A_55 : i32 to vector<1024x1024xi32>
    %add3A_57 = arith.addi %iota3A_54, %add3A_56 : vector<1024x1024xi32>
    %eq3A_58 = vector.broadcast %broadcast_in_dim3A_53 : vector<1x1024xf32> to vector<1024x1024xf32>
    %eq3A_59 = arith.cmpf oeq, %sub3A_50, %eq3A_58 : vector<1024x1024xf32>
    %jit3A_60 = arith.constant 8192 : i32
    %broadcast_in_dim3A_61 = vector.broadcast %jit3A_60 : i32 to vector<1024x1024xi32>
    %select_n3A_62 = arith.select %eq3A_59, %add3A_57, %broadcast_in_dim3A_61 : vector<1024x1024xi1>, vector<1024x1024xi32>
    %reduce_min3A_63 = arith.constant dense<2147483647> : vector<1024xi32>
    %reduce_min3A_64 = vector.multi_reduction <minsi>, %select_n3A_62, %reduce_min3A_63 [0] : vector<1024x1024xi32> to vector<1024xi32>
    %broadcast_in_dim3A_65 = vector.shape_cast %reduce_min3A_64 : vector<1024xi32> to vector<1x1024xi32>
    %lt3A = arith.cmpf olt, %broadcast_in_dim3A_53, %broadcast_in_dim3A : vector<1x1024xf32>
    %select_n3A_66 = arith.select %lt3A, %broadcast_in_dim3A_65, %broadcast_in_dim3A_32 : vector<1x1024xi1>, vector<1x1024xi32>
    %select_n3A_67 = arith.select %lt3A, %broadcast_in_dim3A_53, %broadcast_in_dim3A : vector<1x1024xi1>, vector<1x1024xf32>
    %get3A_68 = arith.constant 2048 : index
    %get3A_69 = arith.constant 0 : index
    %get3A_70 = vector.load %arg5[%get3A_68, %get3A_69] : memref<8192x1xf32, #tpu.memory_space<vmem>>, vector<1024x1xf32>
    %get3A_71 = arith.constant 2048 : index
    %get3A_72 = arith.constant 0 : index
    %get3A_73 = vector.load %arg3[%get3A_71, %get3A_72] : memref<8192x256xbf16, #tpu.memory_space<vmem>>, vector<1024x256xbf16>
    %dot_general3A_74 = arith.constant dense<0.000000e+00> : vector<1024x1024xf32>
    %dot_general3A_75 = tpu.matmul %get3A_73, %get3A_3, %dot_general3A_74 {dimension_numbers = #tpu.dot_dimension_numbers<[1], [0], [0], [1], [0, 0, 1, 1], [], []>, transpose_lhs_hint = false} : vector<1024x256xbf16>, vector<256x1024xbf16>, vector<1024x1024xf32> -> vector<1024x1024xf32>
    %get3A_76 = arith.constant 2048 : index
    %get3A_77 = arith.constant 0 : index
    %get3A_78 = vector.load %arg4[%get3A_76, %get3A_77] : memref<8192x256xbf16, #tpu.memory_space<vmem>>, vector<1024x256xbf16>
    %dot_general3A_79 = arith.constant dense<0.000000e+00> : vector<1024x1024xf32>
    %dot_general3A_80 = tpu.matmul %get3A_78, %get3A_3, %dot_general3A_79 {dimension_numbers = #tpu.dot_dimension_numbers<[1], [0], [0], [1], [0, 0, 1, 1], [], []>, transpose_lhs_hint = false} : vector<1024x256xbf16>, vector<256x1024xbf16>, vector<1024x1024xf32> -> vector<1024x1024xf32>
    %add3A_81 = vector.broadcast %get3A_8 : vector<1x1024xf32> to vector<1024x1024xf32>
    %add3A_82 = vector.broadcast %get3A_70 : vector<1024x1xf32> to vector<1024x1024xf32>
    %add3A_83 = arith.addf %add3A_81, %add3A_82 : vector<1024x1024xf32>
    %add3A_84 = arith.addf %dot_general3A_75, %dot_general3A_80 : vector<1024x1024xf32>
    %sub3A_85 = arith.subf %add3A_83, %add3A_84 : vector<1024x1024xf32>
    %reduce_min3A_86 = arith.constant dense<0x7F800000> : vector<1024xf32>
    %reduce_min3A_87 = vector.multi_reduction <minimumf>, %sub3A_85, %reduce_min3A_86 [0] : vector<1024x1024xf32> to vector<1024xf32>
    %broadcast_in_dim3A_88 = vector.shape_cast %reduce_min3A_87 : vector<1024xf32> to vector<1x1024xf32>
    %iota3A_89 = tpu.iota {dimensions = array<i32: 0>} : vector<1024x1024xi32>
    %add3A_90 = arith.constant 2048 : i32
    %add3A_91 = vector.broadcast %add3A_90 : i32 to vector<1024x1024xi32>
    %add3A_92 = arith.addi %iota3A_89, %add3A_91 : vector<1024x1024xi32>
    %eq3A_93 = vector.broadcast %broadcast_in_dim3A_88 : vector<1x1024xf32> to vector<1024x1024xf32>
    %eq3A_94 = arith.cmpf oeq, %sub3A_85, %eq3A_93 : vector<1024x1024xf32>
    %jit3A_95 = arith.constant 8192 : i32
    %broadcast_in_dim3A_96 = vector.broadcast %jit3A_95 : i32 to vector<1024x1024xi32>
    %select_n3A_97 = arith.select %eq3A_94, %add3A_92, %broadcast_in_dim3A_96 : vector<1024x1024xi1>, vector<1024x1024xi32>
    %reduce_min3A_98 = arith.constant dense<2147483647> : vector<1024xi32>
    %reduce_min3A_99 = vector.multi_reduction <minsi>, %select_n3A_97, %reduce_min3A_98 [0] : vector<1024x1024xi32> to vector<1024xi32>
    %broadcast_in_dim3A_100 = vector.shape_cast %reduce_min3A_99 : vector<1024xi32> to vector<1x1024xi32>
    %lt3A_101 = arith.cmpf olt, %broadcast_in_dim3A_88, %select_n3A_67 : vector<1x1024xf32>
    %select_n3A_102 = arith.select %lt3A_101, %broadcast_in_dim3A_100, %select_n3A_66 : vector<1x1024xi1>, vector<1x1024xi32>
    %select_n3A_103 = arith.select %lt3A_101, %broadcast_in_dim3A_88, %select_n3A_67 : vector<1x1024xi1>, vector<1x1024xf32>
    %get3A_104 = arith.constant 3072 : index
    %get3A_105 = arith.constant 0 : index
    %get3A_106 = vector.load %arg5[%get3A_104, %get3A_105] : memref<8192x1xf32, #tpu.memory_space<vmem>>, vector<1024x1xf32>
    %get3A_107 = arith.constant 3072 : index
    %get3A_108 = arith.constant 0 : index
    %get3A_109 = vector.load %arg3[%get3A_107, %get3A_108] : memref<8192x256xbf16, #tpu.memory_space<vmem>>, vector<1024x256xbf16>
    %dot_general3A_110 = arith.constant dense<0.000000e+00> : vector<1024x1024xf32>
    %dot_general3A_111 = tpu.matmul %get3A_109, %get3A_3, %dot_general3A_110 {dimension_numbers = #tpu.dot_dimension_numbers<[1], [0], [0], [1], [0, 0, 1, 1], [], []>, transpose_lhs_hint = false} : vector<1024x256xbf16>, vector<256x1024xbf16>, vector<1024x1024xf32> -> vector<1024x1024xf32>
    %get3A_112 = arith.constant 3072 : index
    %get3A_113 = arith.constant 0 : index
    %get3A_114 = vector.load %arg4[%get3A_112, %get3A_113] : memref<8192x256xbf16, #tpu.memory_space<vmem>>, vector<1024x256xbf16>
    %dot_general3A_115 = arith.constant dense<0.000000e+00> : vector<1024x1024xf32>
    %dot_general3A_116 = tpu.matmul %get3A_114, %get3A_3, %dot_general3A_115 {dimension_numbers = #tpu.dot_dimension_numbers<[1], [0], [0], [1], [0, 0, 1, 1], [], []>, transpose_lhs_hint = false} : vector<1024x256xbf16>, vector<256x1024xbf16>, vector<1024x1024xf32> -> vector<1024x1024xf32>
    %add3A_117 = vector.broadcast %get3A_8 : vector<1x1024xf32> to vector<1024x1024xf32>
    %add3A_118 = vector.broadcast %get3A_106 : vector<1024x1xf32> to vector<1024x1024xf32>
    %add3A_119 = arith.addf %add3A_117, %add3A_118 : vector<1024x1024xf32>
    %add3A_120 = arith.addf %dot_general3A_111, %dot_general3A_116 : vector<1024x1024xf32>
    %sub3A_121 = arith.subf %add3A_119, %add3A_120 : vector<1024x1024xf32>
    %reduce_min3A_122 = arith.constant dense<0x7F800000> : vector<1024xf32>
    %reduce_min3A_123 = vector.multi_reduction <minimumf>, %sub3A_121, %reduce_min3A_122 [0] : vector<1024x1024xf32> to vector<1024xf32>
    %broadcast_in_dim3A_124 = vector.shape_cast %reduce_min3A_123 : vector<1024xf32> to vector<1x1024xf32>
    %iota3A_125 = tpu.iota {dimensions = array<i32: 0>} : vector<1024x1024xi32>
    %add3A_126 = arith.constant 3072 : i32
    %add3A_127 = vector.broadcast %add3A_126 : i32 to vector<1024x1024xi32>
    %add3A_128 = arith.addi %iota3A_125, %add3A_127 : vector<1024x1024xi32>
    %eq3A_129 = vector.broadcast %broadcast_in_dim3A_124 : vector<1x1024xf32> to vector<1024x1024xf32>
    %eq3A_130 = arith.cmpf oeq, %sub3A_121, %eq3A_129 : vector<1024x1024xf32>
    %jit3A_131 = arith.constant 8192 : i32
    %broadcast_in_dim3A_132 = vector.broadcast %jit3A_131 : i32 to vector<1024x1024xi32>
    %select_n3A_133 = arith.select %eq3A_130, %add3A_128, %broadcast_in_dim3A_132 : vector<1024x1024xi1>, vector<1024x1024xi32>
    %reduce_min3A_134 = arith.constant dense<2147483647> : vector<1024xi32>
    %reduce_min3A_135 = vector.multi_reduction <minsi>, %select_n3A_133, %reduce_min3A_134 [0] : vector<1024x1024xi32> to vector<1024xi32>
    %broadcast_in_dim3A_136 = vector.shape_cast %reduce_min3A_135 : vector<1024xi32> to vector<1x1024xi32>
    %lt3A_137 = arith.cmpf olt, %broadcast_in_dim3A_124, %select_n3A_103 : vector<1x1024xf32>
    %select_n3A_138 = arith.select %lt3A_137, %broadcast_in_dim3A_136, %select_n3A_102 : vector<1x1024xi1>, vector<1x1024xi32>
    %select_n3A_139 = arith.select %lt3A_137, %broadcast_in_dim3A_124, %select_n3A_103 : vector<1x1024xi1>, vector<1x1024xf32>
    %convert_element_type3A = arith.truncf %select_n3A_139 : vector<1x1024xf32> to vector<1x1024xbf16>
    %convert_element_type3A_140 = arith.extf %convert_element_type3A : vector<1x1024xbf16> to vector<1x1024xf32>
    %get3A_141 = arith.constant 4096 : index
    %get3A_142 = arith.constant 0 : index
    %get3A_143 = vector.load %arg5[%get3A_141, %get3A_142] : memref<8192x1xf32, #tpu.memory_space<vmem>>, vector<1024x1xf32>
    %get3A_144 = arith.constant 4096 : index
    %get3A_145 = arith.constant 0 : index
    %get3A_146 = vector.load %arg3[%get3A_144, %get3A_145] : memref<8192x256xbf16, #tpu.memory_space<vmem>>, vector<1024x256xbf16>
    %dot_general3A_147 = arith.constant dense<0.000000e+00> : vector<1024x1024xf32>
    %dot_general3A_148 = tpu.matmul %get3A_146, %get3A_3, %dot_general3A_147 {dimension_numbers = #tpu.dot_dimension_numbers<[1], [0], [0], [1], [0, 0, 1, 1], [], []>, transpose_lhs_hint = false} : vector<1024x256xbf16>, vector<256x1024xbf16>, vector<1024x1024xf32> -> vector<1024x1024xf32>
    %get3A_149 = arith.constant 4096 : index
    %get3A_150 = arith.constant 0 : index
    %get3A_151 = vector.load %arg4[%get3A_149, %get3A_150] : memref<8192x256xbf16, #tpu.memory_space<vmem>>, vector<1024x256xbf16>
    %dot_general3A_152 = arith.constant dense<0.000000e+00> : vector<1024x1024xf32>
    %dot_general3A_153 = tpu.matmul %get3A_151, %get3A_3, %dot_general3A_152 {dimension_numbers = #tpu.dot_dimension_numbers<[1], [0], [0], [1], [0, 0, 1, 1], [], []>, transpose_lhs_hint = false} : vector<1024x256xbf16>, vector<256x1024xbf16>, vector<1024x1024xf32> -> vector<1024x1024xf32>
    %add3A_154 = vector.broadcast %get3A_8 : vector<1x1024xf32> to vector<1024x1024xf32>
    %add3A_155 = vector.broadcast %get3A_143 : vector<1024x1xf32> to vector<1024x1024xf32>
    %add3A_156 = arith.addf %add3A_154, %add3A_155 : vector<1024x1024xf32>
    %add3A_157 = arith.addf %dot_general3A_148, %dot_general3A_153 : vector<1024x1024xf32>
    %sub3A_158 = arith.subf %add3A_156, %add3A_157 : vector<1024x1024xf32>
    %reduce_min3A_159 = arith.constant dense<0x7F800000> : vector<1024xf32>
    %reduce_min3A_160 = vector.multi_reduction <minimumf>, %sub3A_158, %reduce_min3A_159 [0] : vector<1024x1024xf32> to vector<1024xf32>
    %broadcast_in_dim3A_161 = vector.shape_cast %reduce_min3A_160 : vector<1024xf32> to vector<1x1024xf32>
    %iota3A_162 = tpu.iota {dimensions = array<i32: 0>} : vector<1024x1024xi32>
    %add3A_163 = arith.constant 4096 : i32
    %add3A_164 = vector.broadcast %add3A_163 : i32 to vector<1024x1024xi32>
    %add3A_165 = arith.addi %iota3A_162, %add3A_164 : vector<1024x1024xi32>
    %eq3A_166 = vector.broadcast %broadcast_in_dim3A_161 : vector<1x1024xf32> to vector<1024x1024xf32>
    %eq3A_167 = arith.cmpf oeq, %sub3A_158, %eq3A_166 : vector<1024x1024xf32>
    %jit3A_168 = arith.constant 8192 : i32
    %broadcast_in_dim3A_169 = vector.broadcast %jit3A_168 : i32 to vector<1024x1024xi32>
    %select_n3A_170 = arith.select %eq3A_167, %add3A_165, %broadcast_in_dim3A_169 : vector<1024x1024xi1>, vector<1024x1024xi32>
    %reduce_min3A_171 = arith.constant dense<2147483647> : vector<1024xi32>
    %reduce_min3A_172 = vector.multi_reduction <minsi>, %select_n3A_170, %reduce_min3A_171 [0] : vector<1024x1024xi32> to vector<1024xi32>
    %broadcast_in_dim3A_173 = vector.shape_cast %reduce_min3A_172 : vector<1024xi32> to vector<1x1024xi32>
    %get3A_174 = arith.constant 5120 : index
    %get3A_175 = arith.constant 0 : index
    %get3A_176 = vector.load %arg5[%get3A_174, %get3A_175] : memref<8192x1xf32, #tpu.memory_space<vmem>>, vector<1024x1xf32>
    %get3A_177 = arith.constant 5120 : index
    %get3A_178 = arith.constant 0 : index
    %get3A_179 = vector.load %arg3[%get3A_177, %get3A_178] : memref<8192x256xbf16, #tpu.memory_space<vmem>>, vector<1024x256xbf16>
    %dot_general3A_180 = arith.constant dense<0.000000e+00> : vector<1024x1024xf32>
    %dot_general3A_181 = tpu.matmul %get3A_179, %get3A_3, %dot_general3A_180 {dimension_numbers = #tpu.dot_dimension_numbers<[1], [0], [0], [1], [0, 0, 1, 1], [], []>, transpose_lhs_hint = false} : vector<1024x256xbf16>, vector<256x1024xbf16>, vector<1024x1024xf32> -> vector<1024x1024xf32>
    %get3A_182 = arith.constant 5120 : index
    %get3A_183 = arith.constant 0 : index
    %get3A_184 = vector.load %arg4[%get3A_182, %get3A_183] : memref<8192x256xbf16, #tpu.memory_space<vmem>>, vector<1024x256xbf16>
    %dot_general3A_185 = arith.constant dense<0.000000e+00> : vector<1024x1024xf32>
    %dot_general3A_186 = tpu.matmul %get3A_184, %get3A_3, %dot_general3A_185 {dimension_numbers = #tpu.dot_dimension_numbers<[1], [0], [0], [1], [0, 0, 1, 1], [], []>, transpose_lhs_hint = false} : vector<1024x256xbf16>, vector<256x1024xbf16>, vector<1024x1024xf32> -> vector<1024x1024xf32>
    %add3A_187 = vector.broadcast %get3A_8 : vector<1x1024xf32> to vector<1024x1024xf32>
    %add3A_188 = vector.broadcast %get3A_176 : vector<1024x1xf32> to vector<1024x1024xf32>
    %add3A_189 = arith.addf %add3A_187, %add3A_188 : vector<1024x1024xf32>
    %add3A_190 = arith.addf %dot_general3A_181, %dot_general3A_186 : vector<1024x1024xf32>
    %sub3A_191 = arith.subf %add3A_189, %add3A_190 : vector<1024x1024xf32>
    %reduce_min3A_192 = arith.constant dense<0x7F800000> : vector<1024xf32>
    %reduce_min3A_193 = vector.multi_reduction <minimumf>, %sub3A_191, %reduce_min3A_192 [0] : vector<1024x1024xf32> to vector<1024xf32>
    %broadcast_in_dim3A_194 = vector.shape_cast %reduce_min3A_193 : vector<1024xf32> to vector<1x1024xf32>
    %iota3A_195 = tpu.iota {dimensions = array<i32: 0>} : vector<1024x1024xi32>
    %add3A_196 = arith.constant 5120 : i32
    %add3A_197 = vector.broadcast %add3A_196 : i32 to vector<1024x1024xi32>
    %add3A_198 = arith.addi %iota3A_195, %add3A_197 : vector<1024x1024xi32>
    %eq3A_199 = vector.broadcast %broadcast_in_dim3A_194 : vector<1x1024xf32> to vector<1024x1024xf32>
    %eq3A_200 = arith.cmpf oeq, %sub3A_191, %eq3A_199 : vector<1024x1024xf32>
    %jit3A_201 = arith.constant 8192 : i32
    %broadcast_in_dim3A_202 = vector.broadcast %jit3A_201 : i32 to vector<1024x1024xi32>
    %select_n3A_203 = arith.select %eq3A_200, %add3A_198, %broadcast_in_dim3A_202 : vector<1024x1024xi1>, vector<1024x1024xi32>
    %reduce_min3A_204 = arith.constant dense<2147483647> : vector<1024xi32>
    %reduce_min3A_205 = vector.multi_reduction <minsi>, %select_n3A_203, %reduce_min3A_204 [0] : vector<1024x1024xi32> to vector<1024xi32>
    %broadcast_in_dim3A_206 = vector.shape_cast %reduce_min3A_205 : vector<1024xi32> to vector<1x1024xi32>
    %lt3A_207 = arith.cmpf olt, %broadcast_in_dim3A_194, %broadcast_in_dim3A_161 : vector<1x1024xf32>
    %select_n3A_208 = arith.select %lt3A_207, %broadcast_in_dim3A_206, %broadcast_in_dim3A_173 : vector<1x1024xi1>, vector<1x1024xi32>
    %select_n3A_209 = arith.select %lt3A_207, %broadcast_in_dim3A_194, %broadcast_in_dim3A_161 : vector<1x1024xi1>, vector<1x1024xf32>
    %get3A_210 = arith.constant 6144 : index
    %get3A_211 = arith.constant 0 : index
    %get3A_212 = vector.load %arg5[%get3A_210, %get3A_211] : memref<8192x1xf32, #tpu.memory_space<vmem>>, vector<1024x1xf32>
    %get3A_213 = arith.constant 6144 : index
    %get3A_214 = arith.constant 0 : index
    %get3A_215 = vector.load %arg3[%get3A_213, %get3A_214] : memref<8192x256xbf16, #tpu.memory_space<vmem>>, vector<1024x256xbf16>
    %dot_general3A_216 = arith.constant dense<0.000000e+00> : vector<1024x1024xf32>
    %dot_general3A_217 = tpu.matmul %get3A_215, %get3A_3, %dot_general3A_216 {dimension_numbers = #tpu.dot_dimension_numbers<[1], [0], [0], [1], [0, 0, 1, 1], [], []>, transpose_lhs_hint = false} : vector<1024x256xbf16>, vector<256x1024xbf16>, vector<1024x1024xf32> -> vector<1024x1024xf32>
    %get3A_218 = arith.constant 6144 : index
    %get3A_219 = arith.constant 0 : index
    %get3A_220 = vector.load %arg4[%get3A_218, %get3A_219] : memref<8192x256xbf16, #tpu.memory_space<vmem>>, vector<1024x256xbf16>
    %dot_general3A_221 = arith.constant dense<0.000000e+00> : vector<1024x1024xf32>
    %dot_general3A_222 = tpu.matmul %get3A_220, %get3A_3, %dot_general3A_221 {dimension_numbers = #tpu.dot_dimension_numbers<[1], [0], [0], [1], [0, 0, 1, 1], [], []>, transpose_lhs_hint = false} : vector<1024x256xbf16>, vector<256x1024xbf16>, vector<1024x1024xf32> -> vector<1024x1024xf32>
    %add3A_223 = vector.broadcast %get3A_8 : vector<1x1024xf32> to vector<1024x1024xf32>
    %add3A_224 = vector.broadcast %get3A_212 : vector<1024x1xf32> to vector<1024x1024xf32>
    %add3A_225 = arith.addf %add3A_223, %add3A_224 : vector<1024x1024xf32>
    %add3A_226 = arith.addf %dot_general3A_217, %dot_general3A_222 : vector<1024x1024xf32>
    %sub3A_227 = arith.subf %add3A_225, %add3A_226 : vector<1024x1024xf32>
    %reduce_min3A_228 = arith.constant dense<0x7F800000> : vector<1024xf32>
    %reduce_min3A_229 = vector.multi_reduction <minimumf>, %sub3A_227, %reduce_min3A_228 [0] : vector<1024x1024xf32> to vector<1024xf32>
    %broadcast_in_dim3A_230 = vector.shape_cast %reduce_min3A_229 : vector<1024xf32> to vector<1x1024xf32>
    %iota3A_231 = tpu.iota {dimensions = array<i32: 0>} : vector<1024x1024xi32>
    %add3A_232 = arith.constant 6144 : i32
    %add3A_233 = vector.broadcast %add3A_232 : i32 to vector<1024x1024xi32>
    %add3A_234 = arith.addi %iota3A_231, %add3A_233 : vector<1024x1024xi32>
    %eq3A_235 = vector.broadcast %broadcast_in_dim3A_230 : vector<1x1024xf32> to vector<1024x1024xf32>
    %eq3A_236 = arith.cmpf oeq, %sub3A_227, %eq3A_235 : vector<1024x1024xf32>
    %jit3A_237 = arith.constant 8192 : i32
    %broadcast_in_dim3A_238 = vector.broadcast %jit3A_237 : i32 to vector<1024x1024xi32>
    %select_n3A_239 = arith.select %eq3A_236, %add3A_234, %broadcast_in_dim3A_238 : vector<1024x1024xi1>, vector<1024x1024xi32>
    %reduce_min3A_240 = arith.constant dense<2147483647> : vector<1024xi32>
    %reduce_min3A_241 = vector.multi_reduction <minsi>, %select_n3A_239, %reduce_min3A_240 [0] : vector<1024x1024xi32> to vector<1024xi32>
    %broadcast_in_dim3A_242 = vector.shape_cast %reduce_min3A_241 : vector<1024xi32> to vector<1x1024xi32>
    %lt3A_243 = arith.cmpf olt, %broadcast_in_dim3A_230, %select_n3A_209 : vector<1x1024xf32>
    %select_n3A_244 = arith.select %lt3A_243, %broadcast_in_dim3A_242, %select_n3A_208 : vector<1x1024xi1>, vector<1x1024xi32>
    %select_n3A_245 = arith.select %lt3A_243, %broadcast_in_dim3A_230, %select_n3A_209 : vector<1x1024xi1>, vector<1x1024xf32>
    %get3A_246 = arith.constant 7168 : index
    %get3A_247 = arith.constant 0 : index
    %get3A_248 = vector.load %arg5[%get3A_246, %get3A_247] : memref<8192x1xf32, #tpu.memory_space<vmem>>, vector<1024x1xf32>
    %get3A_249 = arith.constant 7168 : index
    %get3A_250 = arith.constant 0 : index
    %get3A_251 = vector.load %arg3[%get3A_249, %get3A_250] : memref<8192x256xbf16, #tpu.memory_space<vmem>>, vector<1024x256xbf16>
    %dot_general3A_252 = arith.constant dense<0.000000e+00> : vector<1024x1024xf32>
    %dot_general3A_253 = tpu.matmul %get3A_251, %get3A_3, %dot_general3A_252 {dimension_numbers = #tpu.dot_dimension_numbers<[1], [0], [0], [1], [0, 0, 1, 1], [], []>, transpose_lhs_hint = false} : vector<1024x256xbf16>, vector<256x1024xbf16>, vector<1024x1024xf32> -> vector<1024x1024xf32>
    %get3A_254 = arith.constant 7168 : index
    %get3A_255 = arith.constant 0 : index
    %get3A_256 = vector.load %arg4[%get3A_254, %get3A_255] : memref<8192x256xbf16, #tpu.memory_space<vmem>>, vector<1024x256xbf16>
    %dot_general3A_257 = arith.constant dense<0.000000e+00> : vector<1024x1024xf32>
    %dot_general3A_258 = tpu.matmul %get3A_256, %get3A_3, %dot_general3A_257 {dimension_numbers = #tpu.dot_dimension_numbers<[1], [0], [0], [1], [0, 0, 1, 1], [], []>, transpose_lhs_hint = false} : vector<1024x256xbf16>, vector<256x1024xbf16>, vector<1024x1024xf32> -> vector<1024x1024xf32>
    %add3A_259 = vector.broadcast %get3A_8 : vector<1x1024xf32> to vector<1024x1024xf32>
    %add3A_260 = vector.broadcast %get3A_248 : vector<1024x1xf32> to vector<1024x1024xf32>
    %add3A_261 = arith.addf %add3A_259, %add3A_260 : vector<1024x1024xf32>
    %add3A_262 = arith.addf %dot_general3A_253, %dot_general3A_258 : vector<1024x1024xf32>
    %sub3A_263 = arith.subf %add3A_261, %add3A_262 : vector<1024x1024xf32>
    %reduce_min3A_264 = arith.constant dense<0x7F800000> : vector<1024xf32>
    %reduce_min3A_265 = vector.multi_reduction <minimumf>, %sub3A_263, %reduce_min3A_264 [0] : vector<1024x1024xf32> to vector<1024xf32>
    %broadcast_in_dim3A_266 = vector.shape_cast %reduce_min3A_265 : vector<1024xf32> to vector<1x1024xf32>
    %iota3A_267 = tpu.iota {dimensions = array<i32: 0>} : vector<1024x1024xi32>
    %add3A_268 = arith.constant 7168 : i32
    %add3A_269 = vector.broadcast %add3A_268 : i32 to vector<1024x1024xi32>
    %add3A_270 = arith.addi %iota3A_267, %add3A_269 : vector<1024x1024xi32>
    %eq3A_271 = vector.broadcast %broadcast_in_dim3A_266 : vector<1x1024xf32> to vector<1024x1024xf32>
    %eq3A_272 = arith.cmpf oeq, %sub3A_263, %eq3A_271 : vector<1024x1024xf32>
    %jit3A_273 = arith.constant 8192 : i32
    %broadcast_in_dim3A_274 = vector.broadcast %jit3A_273 : i32 to vector<1024x1024xi32>
    %select_n3A_275 = arith.select %eq3A_272, %add3A_270, %broadcast_in_dim3A_274 : vector<1024x1024xi1>, vector<1024x1024xi32>
    %reduce_min3A_276 = arith.constant dense<2147483647> : vector<1024xi32>
    %reduce_min3A_277 = vector.multi_reduction <minsi>, %select_n3A_275, %reduce_min3A_276 [0] : vector<1024x1024xi32> to vector<1024xi32>
    %broadcast_in_dim3A_278 = vector.shape_cast %reduce_min3A_277 : vector<1024xi32> to vector<1x1024xi32>
    %lt3A_279 = arith.cmpf olt, %broadcast_in_dim3A_266, %select_n3A_245 : vector<1x1024xf32>
    %select_n3A_280 = arith.select %lt3A_279, %broadcast_in_dim3A_278, %select_n3A_244 : vector<1x1024xi1>, vector<1x1024xi32>
    %select_n3A_281 = arith.select %lt3A_279, %broadcast_in_dim3A_266, %select_n3A_245 : vector<1x1024xi1>, vector<1x1024xf32>
    %lt3A_282 = arith.cmpf olt, %select_n3A_281, %convert_element_type3A_140 : vector<1x1024xf32>
    %select_n3A_283 = arith.select %lt3A_282, %select_n3A_280, %select_n3A_138 : vector<1x1024xi1>, vector<1x1024xi32>
    %swap3A = arith.constant 0 : index
    %swap3A_284 = arith.constant 0 : index
    %swap3A_285 = arith.constant 0 : index
    %swap3A_286 = vector.load %arg6[%swap3A, %swap3A_284, %swap3A_285] : memref<1x1x1024xi32, #tpu.memory_space<vmem>>, vector<1x1x1024xi32>
    %swap3A_287 = vector.shape_cast %swap3A_286 : vector<1x1x1024xi32> to vector<1x1024xi32>
    %swap3A_288 = vector.shape_cast %select_n3A_283 : vector<1x1024xi32> to vector<1x1x1024xi32>
    tpu.vector_store %arg6[%swap3A, %swap3A_284, %swap3A_285], %swap3A_288 {strides = array<i32>} : memref<1x1x1024xi32, #tpu.memory_space<vmem>>, vector<1x1x1024xi32>,
    return
  }
  func.func @transform_0(%arg0: i32) -> (i32, i32, i32) {
    %c0_i32 = arith.constant 0 : i32
    %c0_i32_0 = arith.constant 0 : i32
    %c0_i32_1 = arith.constant 0 : i32
    return %arg0, %c0_i32, %c0_i32_0 : i32, i32, i32
  }
  func.func @transform_1(%arg0: i32) -> (i32, i32, i32) {
    %c0_i32 = arith.constant 0 : i32
    %c0_i32_0 = arith.constant 0 : i32
    %c0_i32_1 = arith.constant 0 : i32
    return %arg0, %c0_i32, %c0_i32_0 : i32, i32, i32
  }
  func.func @transform_2(%arg0: i32) -> (i32, i32) {
    %c0_i32 = arith.constant 0 : i32
    %c0_i32_0 = arith.constant 0 : i32
    %c0_i32_1 = arith.constant 0 : i32
    return %c0_i32, %c0_i32_0 : i32, i32
  }
  func.func @transform_3(%arg0: i32) -> (i32, i32) {
    %c0_i32 = arith.constant 0 : i32
    %c0_i32_0 = arith.constant 0 : i32
    %c0_i32_1 = arith.constant 0 : i32
    return %c0_i32, %c0_i32_0 : i32, i32
  }
  func.func @transform_4(%arg0: i32) -> (i32, i32) {
    %c0_i32 = arith.constant 0 : i32
    %c0_i32_0 = arith.constant 0 : i32
    %c0_i32_1 = arith.constant 0 : i32
    return %c0_i32, %c0_i32_0 : i32, i32
  }
  func.func @transform_5(%arg0: i32) -> (i32, i32, i32) {
    %c0_i32 = arith.constant 0 : i32
    %c0_i32_0 = arith.constant 0 : i32
    %c0_i32_1 = arith.constant 0 : i32
    return %arg0, %c0_i32, %c0_i32_0 : i32, i32, i32
  }
}

</mosaic_0001>

<sc_bundles>
// kernel: scatter_offload_async_start
scs
__scs_entry_jumppad:
0x0: {  	(pc) =	sbr.rel $0x88, $3  }
0x1: {  	(tag) =	ssettag $0x0;
	lr =	simm.s32 $0x1  }
0x2: {  	[smem:$0x3F9F] =	sst lr;
	_ =	strace $0xD0000000  }
0x3: {  	_ = 	snop  }
0x4: {  	_ = 	snop  }
0x5: {  	_ = 	snop  }
0x6: {  	_ = 	snop  }
0x7: {  	_ = 	snop  }
__scs_overlays_trampoline_lowered:
0x8: {  	[smem:$0x3FAE] =	sst s0  }
0x9: {  	[smem:$0x3FAF] =	sst s1  }
0xa: {  	[smem:$0x3FB0] =	sst s2  }
0xb: {  	[smem:$0x3FB1] =	sst s3  }
0xc: {  	[smem:$0x3FB2] =	sst s4  }
0xd: {  	[smem:$0x3FB3] =	sst s5  }
0xe: {  	[smem:$0x3FB4] =	sst s6  }
0xf: {  	[smem:$0x3FB5] =	sst s7  }
0x10: {  	[smem:$0x3FB6] =	sst s8  }
0x11: {  	[smem:$0x3FB7] =	sst s9;
	s0 =	simm.s32 @!p0 $0x0  }
0x12: {  	s1 =	sld [smem:$0x3F9D];
	s0 =	simm.s32 @p0 $0x1  }
0x13: {  	[smem:$0x3FB8] =	sst s0;
	s0 =	simm.s32 @!p1 $0x0  }
0x14: {  	s2 =	sld [smem:$0x3F9C];
	s0 =	simm.s32 @p1 $0x1  }
0x15: {  	[smem:$0x3FB9] =	sst s0;
	s0 =	simm.s32 @!p2 $0x0  }
0x16: {  	s3 =	sld [smem:$0x3FDB];
	s0 =	simm.s32 @p2 $0x1  }
0x17: {  	s4 =	simm.s32 $0x1BF5;
	[smem:$0x3FBB] =	sst s0  }
0x18: {  	s0 =	sld [smem:$0x3F9E];
	_ =	swait.ge [sflag:s4], $0x0  }
0x19: {  	s7 =	sld [smem:$0x3F9F]  }
0x1a: {  	s8 =	sadd.s32 $0xFFFFE003, lr  }
0x1b: {  	s9 =	sadd.s32 $0xFFFFFEF7, lr;
	s5 =	simm.s32 $0xFFFFFFFF;
	p2 =	slt.u32 s8, $0xFFFFF086  }
0x1c: {  	p1 =	slt.u32 s9, $0xF7A;
	s5 =	simm.s32 @!p2 $0x0  }
0x1d: {  	s5 =	simm.s32 @p1 $0x1;
	p0 =	seq.s32 s7, s2  }
0x1e: {  	s7 =	smul.u32 @!p0 $0xF7A, s2;
	p2 =	seq.s32 @!p0 s5, $0x0  }
0x1f: {  	s9 =	smul.u32 $0xF7A, s1;
	s8 =	simm.s32 @!p0 $0x1BF5;
	p2 =	por !p2, p0  }
0x20: {  	[sflag:s8] =	ssyncset.s32 @!p0 $0xFFFFF086;
	s6 =	sadd.s32 @!p0 s3, s7;
	s7 =	simm.s32 @!p0 $0x108  }
0x21: {  	s3 =	sadd.s32 s3, s9;
	s6 =	sadd.s32 @!p0 $0x88, s6;
	s7 =	simm.s32 @p2 $0x1082  }
0x22: {  	[simem:s7], [sflag:s8] =	dma.local @!p0 [hbm:s6], $0xF7A  }
0x23: {  	s9 =	sor.u32 $0xD0000000, s2;
	s6 =	simm.s32 $0x108;
	_ =	swait.ge @!p0 [sflag:s8], $0x0  }
0x24: {  	s3 =	sadd.s32 $0x88, s3;
	s6 =	simm.s32 @!p1 $0x1082;
	[sflag:s4] =	ssyncset.s32 $0xFFFFF086  }
0x25: {  	[simem:s6], [sflag:s4] =	dma.local [hbm:s3], $0xF7A  }
0x26: {  	[smem:$0x3F9F] =	sst s1;
	(tag) =	ssettag s2;
	_ =	strace s9  }
0x27: {  	s1 =	sld [smem:$0x3FAF]  }
0x28: {  	s2 =	sld [smem:$0x3FB0]  }
0x29: {  	s4 =	sld [smem:$0x3FB2]  }
0x2a: {  	p0 =	seq.s32 s5, $0x0;
	s5 =	sld [smem:$0x3FB3]  }
0x2b: {  	s6 =	sld [smem:$0x3FB4]  }
0x2c: {  	s7 =	sld [smem:$0x3FB5]  }
0x2d: {  	s3 =	simm.s32 $0x108;
	s8 =	sld [smem:$0x3FB6]  }
0x2e: {  	s3 =	simm.s32 @!p0 $0x1082;
	s9 =	sld [smem:$0x3FB7]  }
0x2f: {  	lr =	sadd.s32 s0, s3;
	s0 =	sld [smem:$0x3FAE]  }
0x30: {  	s3 =	sld [smem:$0x3FB1]  }
0x31: {  	[smem:$0x3FBA] =	sst s10  }
0x32: {  	s10 =	sld [smem:$0x3FB8];
	_ =	sdelay $0x3  }
0x33: {  	p0 =	seq.s32 s10, $0x1;
	s10 =	sld [smem:$0x3FBA];
	_ =	sdelay $0x3  }
0x34: {  	[smem:$0x3FBA] =	sst s10  }
0x35: {  	s10 =	sld [smem:$0x3FB9];
	_ =	sdelay $0x3  }
0x36: {  	p1 =	seq.s32 s10, $0x1;
	s10 =	sld [smem:$0x3FBA];
	_ =	sdelay $0x3  }
0x37: {  	[smem:$0x3FBA] =	sst s10  }
0x38: {  	s10 =	sld [smem:$0x3FBB]  }
0x39: {  	_ = 	snop;
	(pc) =	sbr.ind lr, $3  }
0x3a: {  	_ = 	snop  }
0x3b: {  	_ = 	snop  }
0x3c: {  	p2 =	seq.s32 s10, $0x1;
	s10 =	sld [smem:$0x3FBA]  }
0x3d: {  	_ =	shalt  }
0x3e: {  	_ =	shalt  }
0x3f: {  	_ =	shalt  }
0x40: {  	_ =	shalt  }
0x41: {  	_ =	shalt  }
0x42: {  	_ =	shalt  }
0x43: {  	_ =	shalt  }
0x44: {  	_ =	shalt  }
0x45: {  	_ =	shalt  }
0x46: {  	_ =	shalt  }
0x47: {  	_ =	shalt  }
0x48: {  	_ =	shalt  }
0x49: {  	_ =	shalt  }
0x4a: {  	_ =	shalt  }
0x4b: {  	_ =	shalt  }
0x4c: {  	_ =	shalt  }
0x4d: {  	_ =	shalt  }
0x4e: {  	_ =	shalt  }
0x4f: {  	_ =	shalt  }
0x50: {  	_ =	shalt  }
0x51: {  	_ =	shalt  }
0x52: {  	_ =	shalt  }
0x53: {  	_ =	shalt  }
0x54: {  	_ =	shalt  }
0x55: {  	_ =	shalt  }
0x56: {  	_ =	shalt  }
0x57: {  	_ =	shalt  }
0x58: {  	_ =	shalt  }
0x59: {  	_ =	shalt  }
0x5a: {  	_ =	shalt  }
0x5b: {  	_ =	shalt  }
0x5c: {  	_ =	shalt  }
0x5d: {  	_ =	shalt  }
0x5e: {  	_ =	shalt  }
0x5f: {  	_ =	shalt  }
0x60: {  	_ =	shalt  }
0x61: {  	_ =	shalt  }
0x62: {  	_ =	shalt  }
0x63: {  	_ =	shalt  }
0x64: {  	_ =	shalt  }
0x65: {  	_ =	shalt  }
0x66: {  	_ =	shalt  }
0x67: {  	_ =	shalt  }
0x68: {  	_ =	shalt  }
0x69: {  	_ =	shalt  }
0x6a: {  	_ =	shalt  }
0x6b: {  	_ =	shalt  }
0x6c: {  	_ =	shalt  }
0x6d: {  	_ =	shalt  }
0x6e: {  	_ =	shalt  }
0x6f: {  	_ =	shalt  }
0x70: {  	_ =	shalt  }
0x71: {  	_ =	shalt  }
0x72: {  	_ =	shalt  }
0x73: {  	_ =	shalt  }
0x74: {  	_ =	shalt  }
0x75: {  	_ =	shalt  }
0x76: {  	_ =	shalt  }
0x77: {  	_ =	shalt  }
0x78: {  	_ =	shalt  }
0x79: {  	_ =	shalt  }
0x7a: {  	_ =	shalt  }
0x7b: {  	_ =	shalt  }
0x7c: {  	_ =	shalt  }
0x7d: {  	_ =	shalt  }
0x7e: {  	_ =	shalt  }
0x7f: {  	_ =	shalt  }
0x80: {  	_ =	shalt  }
0x81: {  	_ =	shalt  }
0x82: {  	_ =	shalt  }
0x83: {  	_ =	shalt  }
0x84: {  	_ =	shalt  }
0x85: {  	_ =	shalt  }
0x86: {  	_ =	shalt  }
0x87: {  	_ =	shalt  }
.Lfunc_end0:
.L_simem_size_0:
called_computation_lowered:
.L_overlay_start_0:
0x88: {  	s0 =	sld [smem:$0x3FD9]  }
0x89: {  	s1 =	sld [smem:$0x3FFE];
	_ =	sdelay $0x3  }
0x8a: {  	s0 =	sadd.s32 s1, s0  }
0x8b: {  	[smem:$0x3FC6] =	sst s0  }
0x8c: {  	_ = 	snop  }
0x8d: {  	(tm) =	ssettm $0x1  }
0x8e: {  	s15 =	sld [smem:$0x3FFB];
	_ =	sdelay $0x3  }
0x8f: {  	_ =	strace s15  }
0x90: {  	s0 =	sld [smem:$0x3FFC];
	_ =	sdelay $0x3  }
0x91: {  	_ =	strace s0  }
0x92: {  	s0 =	sld [smem:$0x3FFD];
	_ =	sdelay $0x3  }
0x93: {  	_ =	strace s0  }
0x94: {  	_ =	strace $0x8FFFFFFF  }
0x95: {  	s16 =	sld [smem:$0x3FDB];
	_ =	sdelay $0x1  }
0x96: {  	s17 =	simm.s32 $_scs_section_size  }
0x97: {  	s2 =	simm.s32 $_size__tile_overlayer_lowered;
	s3 =	simm.s32 $_tile_overlayer_lowered  }
0x98: {  	s20 =	simm.s32 $0x1BFF;
	s19 =	sshll.u32 s3, $0x1;
	s0 =	sadd.s32 s17, s16  }
0x99: {  	s4 =	simm.s32 $0x0;
	s18 =	sshll.u32 s2, $0x1;
	s2 =	sadd.s32 s19, s0  }
0x9a: {  	[timem:s4], [sflag:s20] =	dma.local [hbm:s2], s18  }
0x9b: {  	_ =	swait.ge [sflag:s20], s18  }
0x9c: {  	s1 =	ssub.s32 $0x0, s18;
	[sflag:s20] =	ssyncset.done $0x0  }
0x9d: {  	[sflag:s20] =	ssyncadd.s32 s1;
	_ =	sdelay $0x1  }
0x9e: {  	s21 =	simm.s32 $0x1B8B  }
0x9f: {  	_ =	swait.ge [sflag:s21], $0x1  }
0xa0: {  	[sflag:s21] =	ssyncset.done $0x0  }
0xa1: {  	s23 =	simm.s32 $0x1B8E;
	s22 =	sld [smem:$0x3FFE];
	[sflag:s21] =	ssyncadd.s32 $0xFFFFFFFF  }
0xa2: {  	s24 =	simm.s32 $execute0_lowered;
	[smem:$0x3FD2] =	sst s23  }
0xa3: {  	s2 =	sshll.u32 s24, $0x1;
	_ =	strace $0x80000046;
	[dreg:$0x1] =	wrdreg $0xFFFFFFFF  }
0xa4: {  	s25 =	simm.s32 $_size_execute0_lowered;
	s0 =	sadd.s32 s0, s2;
	[dreg:$0x0] =	wrdreg $0x0  }
0xa5: {  	s2 =	sshll.u32 s25, $0x1;
	[dreg:$0x2] =	wrdreg s0  }
0xa6: {  	[dreg:$0x3] =	wrdreg s2  }
0xa7: {  	[dreg:$0x4] =	wrdreg $0xC0  }
0xa8: {  	_ =	task [dreg:s4], $0x5FFFF  }
0xa9: {  	[dreg:$0x1] =	wrdreg $0xFFFFFFFF  }
0xaa: {  	[dreg:$0x0] =	wrdreg $0x60  }
0xab: {  	[dreg:$0x2] =	wrdreg s22  }
0xac: {  	[dreg:$0x3] =	wrdreg $0x9  }
0xad: {  	_ =	task.clear_ibuf [dreg:s4], $0x4FFFF;
	_ =	strace $0x90000046  }
0xae: {  	s26 =	simm.s32 $0x9;
	_ =	strace $0x80000048  }
0xaf: {  	_ =	swait.ge [sflag:s26], $0x1  }
0xb0: {  	[sflag:s26] =	ssyncadd.s32 $0xFFFFFFFF  }
0xb1: {  	_ =	strace $0x90000048  }
0xb2: {  	_ =	sfence  }
0xb3: {  	s28 =	sld [smem:$0x0];
	_ =	sdelay $0x1  }
0xb4: {  	s29 =	srdreg.scid  }
0xb5: {  	s30 =	sshll.u32 s29, $0xD;
	s31 =	sshrl.u32 s29, $0x2  }
0xb6: {  	s1 =	sand.u32 $0x1, s29;
	s2 =	sand.u32 $0x4000, s30;
	s0 =	sadd.s32 s31, s28  }
0xb7: {  	s1 =	sor.u32 s2, s1;
	s0 =	sshll.u32 s0, $0x11  }
0xb8: {  	s0 =	sor.u32 s0, s1  }
0xb9: {  	s0 =	sadd.s32 $0x8F2B, s0  }
0xba: {  	[sflag:s0] =	ssyncadd.remote.s32 $0x1  }
0xbb: {  	_ =	sfence.sel $0xFFFF  }
0xbc: {  	[dreg:$0x0] =	wrdreg $0xFFFFFFFF;
	(pc) =	sbr.abs _section_cstart, $3  }
0xbd: {  	[dreg:$0x1] =	wrdreg $0xFFFFFFFF  }
0xbe: {  	_ =	task.clear_ibuf [dreg:s4], $0x2FFFF;
	_ =	strace $0x9FFFFFFF  }
0xbf: {  	(tm) =	ssettm $0x7FFFFFFF  }
tec
execute0_lowered:
.L_overlay_start_1:
0x0: {  	(tag) =	ssettag $0x1  }
0x1: {  	s2 =	rddreg [dreg:$0x0]  }
0x2: {  	s0 =	rddreg [dreg:$0x1];
	_ =	strace $0x80000047;
	s3 =	stileid.u32  }
0x3: {  	s4 =	simm.s32 $0x3E;
	s1 =	sadd.s32 $0x800, s2;
	p0 =	sne.s32 s3, $0x0  }
0x4: {  	[sflag:s4] =	ssyncpa.u1 $0x0;
	s5 =	simm.s32 @!p0 $0x1C3E;
	s6 =	simm.s32 @!p0 $0x0  }
0x5: {  	[spmem:s6], [sflag:s5] =	dma.local @!p0 [hbm:s1], $0x400  }
0x6: {  	s5 =	simm.s32 @!p0 $0x3E  }
0x7: {  	_ =	swait.ge @!p0 [sflag:s5], $0x400  }
0x8: {  	[sflag:s5] =	ssyncset.done @!p0 $0x0  }
0x9: {  	[sflag:s5] =	ssyncadd.s32 @!p0 $0xFFFFFC00  }
0xa: {  	s28 =	simm.s32 $0x1;
	s29 =	simm.s32 $0x2;
	[bflag:$0x0] =	sbarrier.arrive $0xFFFF  }
0xb: {  	s7 =	simm.s32 $0x600;
	s3 =	sshll.u32 s3, $0x7;
	[sflag:s4] =	ssyncpa.u1 $0x1  }
0xc: {  	s30 =	sadd.s32 $0xC00, s2;
	s31 =	sadd.s32 s2, s3;
	[sflag:s28] =	ssyncpa.u1 $0x0  }
0xd: {  	s2 =	simm.s32 $0x0;
	(ifvalue) =	ssetifvalue $0x2000;
	[sflag:s29] =	ssyncpa.u1 $0x0  }
0xe: {  	[tilespmem:s7], [sflag:$0x2] =	stream.linear.gather [hbm4b:s31+s2], $0x400, $0x38;
	[tilespmem:$0x1200] =	vst v63  }
0xf: {  	s5 =	sadd.s32 s30, s3;
	s3 =	simm.s32 $0xE00  }
0x10: {  	[tilespmem:s3], [sflag:$0x2] =	stream.linear.gather [hbm4b:s5+s2], $0x400, $0x38;
	[tilespmem:$0x1200] =	vst v63  }
0x11: {  	_ =	swait.ge [sflag:s29], $0x800  }
0x12: {  	[sflag:s29] =	ssyncset.done $0x0  }
0x13: {  	[sflag:s29] =	ssyncadd.s32 $0xFFFFF800  }
0x14: {  	v0 =	vld.msk [tilespmem:s7+$0x0 ss:$0x1], $0xffff;
	_ =	sdelay $0x4  }
0x15: {  	v0 =	vmin.u32 v0, $0x2000;
	_ =	sdelay $0x3  }
0x16: {  	vm0 =	vmmov $0xffff;
	s4 =	simm.s32 $0x0;
	s5 =	simm.s32 $0x610  }
0x17: {  	[spmem:s2] =	stream.indirect_vreg.scatter.add.s32 [tilespmem:s3], [sflag:$0x1], $0x1, v0, vm0, $0x4038;
	[tilespmem:$0x1200] =	vst v63  }
.LBB2_1:
0x18: {  	v0 =	vld.msk [tilespmem:s5+$0x0 ss:$0x1], $0xffff;
	s4 =	sadd.s32 $0x10, s4  }
0x19: {  	p1 =	slt.u32 s4, $0x3F0;
	_ =	sdelay $0x4  }
0x1a: {  	v0 =	vmin.u32 v0, $0x2000  }
.Ltmp0:
0x1b: {  	(pc) =	sbr.rel @p1 .LBB2_1-.Ltmp0, $3  }
0x1c: {  	_ =	sdelay $0x1  }
0x1d: {  	s5 =	sadd.s32 $0x10, s5;
	s3 =	sadd.s32 $0x10, s3  }
0x1e: {  	[spmem:s2] =	stream.indirect_vreg.scatter.add.s32 [tilespmem:s3], [sflag:$0x1], $0x1, v0, vm0, $0x4038;
	[tilespmem:$0x1200] =	vst v63  }
0x1f: {  	s2 =	simm.s32 $0x1  }
0x20: {  	_ =	swait.ge [sflag:s2], $0x400  }
0x21: {  	[sflag:s2] =	ssyncset.done $0x0  }
0x22: {  	[sflag:s2] =	ssyncadd.s32 $0xFFFFFC00  }
0x23: {  	_ =	sfence.sel $0x180000  }
0x24: {  	s3 =	simm.s32 $0x2;
	[bflag:$0x0] =	sbarrier.arrive $0xFFFF  }
0x25: {  	[sflag:s3] =	ssyncpa.u1 $0x1  }
0x26: {  	[sflag:s2] =	ssyncpa.u1 $0x1  }
0x27: {  	_ =	sfence.stream.spmem  }
0x28: {  	s31 =	simm.s32 $0x3D;
	[bflag:$0x0] =	sbarrier.arrive $0xFFFF  }
0x29: {  	s2 =	simm.s32 @p0 $0x3D;
	[sflag:s31] =	ssyncpa.u1 $0x0  }
0x2a: {  	[sflag:s2] =	ssyncpa.u1 @p0 $0x1  }
0x2b: {  	[bflag:$0x0] =	sbarrier.arrive @p0 $0xFFFF  }
0x2c: {  	_ =	strace @p0 $0x90000047  }
0x2d: {  	s3 =	simm.s32 @!p0 $0x1C3D;
	s2 =	simm.s32 @!p0 $0x0;
	[bflag:$0x2] =	sbarrier.arrive @p0 $0xFFFF  }
0x2e: {  	[hbm:s1], [sflag:s3] =	dma.local @!p0 [spmem:s2], $0x400  }
0x2f: {  	s1 =	simm.s32 @!p0 $0x3D  }
0x30: {  	_ =	swait.ge @!p0 [sflag:s1], $0x400  }
0x31: {  	[sflag:s1] =	ssyncset.done @!p0 $0x0  }
0x32: {  	[sflag:s1] =	ssyncadd.s32 @!p0 $0xFFFFFC00  }
0x33: {  	[sflag:s1] =	ssyncpa.u1 @!p0 $0x1  }
0x34: {  	[bflag:$0x0] =	sbarrier.arrive @!p0 $0xFFFF  }
0x35: {  	_ =	strace @!p0 $0x90000047  }
0x36: {  	s0 =	sadd.s32 @!p0 $0x100000, s0;
	[bflag:$0x2] =	sbarrier.arrive @!p0 $0xFFFF  }
0x37: {  	[sflag:s0] =	ssyncadd.tile.s32 @!p0 $0x1;
	_ =	shalt  }
.Lfunc_end2:
_tile_overlayer_lowered:
.L_overlay_start_2:
0x38: {  	(tag) =	ssettag $0x2  }
0x39: {  	s0 =	rddreg [dreg:$0x0];
	s2 =	stileid.u32  }
0x3a: {  	s1 =	rddreg [dreg:$0x1];
	p0 =	sne.s32 s2, $0x0  }
0x3b: {  	s3 =	rddreg [dreg:$0x2];
	[bflag:$0x3] =	sbarrier.arrive $0xFFFF;
	s2 =	simm.s32 @!p0 $0x1C01  }
0x3c: {  	[timem:s3], [sflag:s2] =	dma.local @!p0 [hbm:s0], s1  }
0x3d: {  	s0 =	simm.s32 @!p0 $0x1  }
0x3e: {  	_ =	swait.ge @!p0 [sflag:s0], s1  }
0x3f: {  	s1 =	ssub.s32 @!p0 $0x0, s1;
	[sflag:s0] =	ssyncset.done @!p0 $0x0  }
0x40: {  	[sflag:s0] =	ssyncadd.s32 @!p0 s1  }
0x41: {  	[bflag:$0x3] =	sbarrier.arrive $0xFFFF  }
0x42: {  	_ =	shalt  }

</sc_bundles>
